<compile_context>
chip_gen: v7x
topology: tpu7x:2x2x1
jax: 0.10.2.dev20260603
libtpu: 0.0.44.dev20260713+nightly
codegen_flags: <defaults>
</compile_context>

<pallas_src>
import dataclasses
import functools

import jax
import jax.numpy as jnp
from jax import lax
from jax.experimental import pallas as pl
from jax.experimental.pallas import tpu as pltpu
from jax.experimental.pallas import tpu_sc as plsc

NCLS = 200
CPAD = 208
NCHUNK = CPAD // 16
TABW = 4 * CPAD
NBATCH = 16384
NTILES = 16
PER_TILE = NBATCH // NTILES
NVEC = PER_TILE // 16


def _sc_center_loss():
    mesh = plsc.VectorSubcoreMesh(core_axis_name="c", subcore_axis_name="s")
    cparams = pltpu.CompilerParams()
    if "needs_layout_passes" in pltpu.CompilerParams.__dataclass_fields__:
        cparams = dataclasses.replace(cparams, needs_layout_passes=False)

    @functools.partial(
        pl.kernel,
        compiler_params=cparams,
        out_type=jax.ShapeDtypeStruct((16,), jnp.float32),
        mesh=mesh,
        scratch_types=[
            pltpu.VMEM((2 * PER_TILE,), jnp.float32),
            pltpu.VMEM((PER_TILE,), jnp.int32),
            pltpu.VMEM((1, TABW), jnp.float32),
            pltpu.VMEM((416,), jnp.float32),
            pltpu.VMEM((1,), jnp.int32),
            pltpu.VMEM((16,), jnp.float32),
            pltpu.VMEM((1, 16), jnp.float32),
            pltpu.VMEM_SHARED((1, TABW), jnp.float32),
            pltpu.VMEM_SHARED((1, 16), jnp.float32),
            pltpu.SemaphoreType.DMA,
            pltpu.SemaphoreType.DMA,
            pltpu.SemaphoreType.DMA,
        ],
    )
    def sc_kernel(feat_hbm, lbl_hbm, lam_hbm, ctr_hbm, idx_hbm, out_hbm,
                  feat_v, lbl_v, tab_v, ctr_v, idx_v, lam_v, res_v,
                  tab_sh, part_sh, sem_a, sem_c, sem_l):
        cid = lax.axis_index("c")
        sid = lax.axis_index("s")

        @pl.when(cid == 0)
        def _():
            lanes = lax.iota(jnp.int32, 16)
            zi = lanes * 0
            zf = jnp.zeros((16,), jnp.float32)

            base = sid * PER_TILE
            h_lbl = pltpu.async_copy(
                lbl_hbm.at[pl.ds(base, PER_TILE)], lbl_v, sem_a)
            h_feat = pltpu.async_copy(
                feat_hbm.at[pl.ds(2 * base, 2 * PER_TILE)], feat_v, sem_a)
            h_idx = pltpu.async_copy(idx_hbm, idx_v, sem_a)

            @pl.when(sid < NCHUNK)
            def _():
                pltpu.async_copy(ctr_hbm, ctr_v.at[pl.ds(0, 2 * NCLS)], sem_c)

            @pl.when(sid == 0)
            def _():
                pltpu.async_copy(lam_hbm, lam_v, sem_l)

            @plsc.parallel_loop(0, TABW // 16, unroll=4)
            def _(j):
                tab_v[0, pl.ds(j * 16, 16)] = zf

            @pl.when(sid == 0)
            def _():
                pltpu.sync_copy(tab_v, tab_sh)
                res_v[0, pl.ds(0, 16)] = zf
                pltpu.sync_copy(res_v, part_sh)

            h_lbl.wait()
            h_feat.wait()
            h_idx.wait()
            plsc.subcore_barrier()

            onesf = zf + 1.0

            @plsc.parallel_loop(0, NVEC, unroll=4)
            def _(i):
                lab = lbl_v[pl.ds(i * 16, 16)]
                rows = lanes * 2 + i * 32
                fx = plsc.load_gather(feat_v, [rows])
                fy = plsc.load_gather(feat_v, [rows + 1])
                ff = fx * fx + fy * fy
                plsc.addupdate_scatter(tab_v, [zi, lab], onesf)
                plsc.addupdate_scatter(tab_v, [zi, lab + CPAD], fx)
                plsc.addupdate_scatter(tab_v, [zi, lab + 2 * CPAD], fy)
                plsc.addupdate_scatter(tab_v, [zi, lab + 3 * CPAD], ff)

            pltpu.sync_copy(tab_v, tab_sh.at[idx_v], add=True)
            plsc.subcore_barrier()

            @pl.when(sid < NCHUNK)
            def _():
                pltpu.make_async_copy(
                    ctr_hbm, ctr_v.at[pl.ds(0, 2 * NCLS)], sem_c).wait()
                ctr_v[pl.ds(2 * NCLS, 16)] = zf
                pltpu.sync_copy(tab_sh, tab_v)
                c0 = sid * 16
                n = tab_v[0, pl.ds(c0, 16)]
                sx = tab_v[0, pl.ds(c0 + CPAD, 16)]
                sy = tab_v[0, pl.ds(c0 + 2 * CPAD, 16)]
                s1 = tab_v[0, pl.ds(c0 + 3 * CPAD, 16)]
                cls2 = (lanes + c0) * 2
                cx = plsc.load_gather(ctr_v, [cls2])
                cy = plsc.load_gather(ctr_v, [cls2 + 1])
                contrib = (s1 - 2.0 * (cx * sx + cy * sy)) / jnp.maximum(n, 1.0)
                contrib = contrib + jnp.where(n > 0.0, cx * cx + cy * cy, 0.0)
                res_v[0, pl.ds(0, 16)] = contrib
                pltpu.sync_copy(res_v, part_sh.at[idx_v], add=True)

            plsc.subcore_barrier()

            @pl.when(sid == 0)
            def _():
                pltpu.make_async_copy(lam_hbm, lam_v, sem_l).wait()
                pltpu.sync_copy(part_sh, res_v)
                acc = res_v[0, pl.ds(0, 16)]
                res_v[0, pl.ds(0, 16)] = (
                    (zf + jnp.sum(acc)) * lam_v[...] * (0.5 / NBATCH))
                pltpu.sync_copy(res_v.at[0], out_hbm)

    return sc_kernel


_SC_KERNEL = _sc_center_loss()


def kernel(feature, label, lambdas, center):
    feat_flat = feature.reshape(2 * NBATCH)
    ctr_flat = center.reshape(2 * NCLS)
    lam = jnp.full((16,), lambdas, dtype=jnp.float32)
    row0 = jnp.zeros((1,), jnp.int32)
    out = _SC_KERNEL(feat_flat, label, lam, ctr_flat, row0)
    return out[0]

# --- scband reference (transcript-rebuilt; emitter-appended) ---
"""Pipeline reference for scband-centerloss-64785286693068 (READ-ONLY COPY).

The authoritative reference and input builder live on the scoring server;
editing this copy changes nothing except your own understanding.
"""

import jax, jax.numpy as jnp
import numpy as np

NUM_CLASSES = 200
FEAT_DIM = 2
BATCH = 16384


def setup_inputs(seed: int = 0) -> dict:
    key = jax.random.key(seed)
    k1, k2, k3 = jax.random.split(key, 3)
    feature = jax.random.normal(k1, (BATCH, FEAT_DIM), dtype=jnp.float32)
    label = jax.random.randint(k2, (BATCH,), 0, NUM_CLASSES, dtype=jnp.int32)
    lambdas = jnp.float32(1.0)
    # learned parameter: self.center = nn.Parameter(torch.randn(200, 2))
    center = jax.random.normal(k3, (NUM_CLASSES, FEAT_DIM), dtype=jnp.float32)
    return {"feature": feature, "label": label, "lambdas": lambdas, "center": center}


def reference(feature, label, lambdas, center):
    # center_exp = self.center.index_select(0, label.long())
    center_exp = jnp.take(center, label, axis=0)
    # count = torch.histc(label, max(label)+1, 0, max(label)) -- for integer-valued
    # labels in [0, max] this equals a bincount per class. Use a static length for jit;
    # entries past max(label) are never indexed by count_exp below.
    count = jnp.bincount(label, length=NUM_CLASSES).astype(jnp.float32)
    # count_exp = count.index_select(0, label.long())
    count_exp = jnp.take(count, label, axis=0)
    sq_dist = jnp.sum(jnp.power(feature - center_exp, 2), axis=1)
    loss = lambdas / 2.0 * jnp.mean(sq_dist / count_exp)
    return loss

if __name__ == "__main__":
    import jax
    _d = setup_inputs()
    print(jax.jit(kernel)(*tuple(_d.values())))

</pallas_src>

<mosaic_0001>
#map = affine_map<(d0, d1) -> (0)>
module attributes {stable_mosaic.version = 14 : i64} {
  func.func @sc_kernel(%arg0: i32, %arg1: i32, %arg2: memref<32768xf32, #tpu.memory_space<hbm>>, %arg3: memref<16384xi32, #tpu.memory_space<hbm>>, %arg4: memref<16xf32, #tpu.memory_space<hbm>>, %arg5: memref<400xf32, #tpu.memory_space<hbm>>, %arg6: memref<1xi32, #tpu.memory_space<hbm>>, %arg7: memref<16xf32, #tpu.memory_space<hbm>>, %arg8: memref<2048xf32, #tpu.memory_space<vmem>>, %arg9: memref<1024xi32, #tpu.memory_space<vmem>>, %arg10: memref<1x832xf32, #tpu.memory_space<vmem>>, %arg11: memref<416xf32, #tpu.memory_space<vmem>>, %arg12: memref<1xi32, #tpu.memory_space<vmem>>, %arg13: memref<16xf32, #tpu.memory_space<vmem>>, %arg14: memref<1x16xf32, #tpu.memory_space<vmem>>, %arg15: memref<1x832xf32, #tpu.memory_space<vmem_shared>>, %arg16: memref<1x16xf32, #tpu.memory_space<vmem_shared>>, %arg17: memref<!tpu.dma_semaphore, #tpu.memory_space<semaphore_mem>>, %arg18: memref<!tpu.dma_semaphore, #tpu.memory_space<semaphore_mem>>, %arg19: memref<!tpu.dma_semaphore, #tpu.memory_space<semaphore_mem>>) attributes {dimension_semantics = [#tpu.dimension_semantics<core_parallel>, #tpu.dimension_semantics<subcore_parallel>], iteration_bounds = array<i64: 2, 16>, scalar_prefetch = 0 : i64, scratch_operands = 12 : i64, tpu.core_type = #tpu.core_type<sc_vector_subcore>, window_params = [{transform_indices = #map}, {transform_indices = #map}, {transform_indices = #map}, {transform_indices = #map}, {transform_indices = #map}, {transform_indices = #map}]} {
    %eq3A = arith.constant 0 : i32
    %eq3A_0 = arith.cmpi eq, %arg0, %eq3A : i32
    %convert_element_type3A = arith.extui %eq3A_0 : i1 to i32
    %cond3A = arith.constant 0 : i32
    %cond3A_1 = arith.cmpi ne, %convert_element_type3A, %cond3A : i32
    scf.if %cond3A_1 {
      %iota3A = tpu.iota {dimensions = array<i32: 0>} : vector<16xi32>
      %mul3A = arith.constant 0 : i32
      %mul3A_2 = vector.broadcast %mul3A : i32 to vector<16xi32>
      %mul3A_3 = arith.muli %iota3A, %mul3A_2 : vector<16xi32>
      %broadcast_in_dim3A = arith.constant 0.000000e+00 : f32
      %broadcast_in_dim3A_4 = vector.broadcast %broadcast_in_dim3A : f32 to vector<16xf32>
      %mul3A_5 = arith.constant 1024 : i32
      %mul3A_6 = arith.muli %arg1, %mul3A_5 : i32
      %dma_start3A = tpu.memref_slice %arg3[%mul3A_6] : memref<16384xi32, #tpu.memory_space<hbm>> -> memref<1024xi32, #tpu.memory_space<hbm>>
      %dma_start3A_7 = tpu.memref_slice %arg3[%mul3A_6] : memref<16384xi32, #tpu.memory_space<hbm>> -> memref<1024xi32, #tpu.memory_space<hbm>>
      tpu.enqueue_dma source(%dma_start3A_7 : memref<1024xi32, #tpu.memory_space<hbm>>) target(%arg9 : memref<1024xi32, #tpu.memory_space<vmem>>) target_semaphore(%arg17 : memref<!tpu.dma_semaphore, #tpu.memory_space<semaphore_mem>>)
      %mul3A_8 = arith.constant 2 : i32
      %mul3A_9 = arith.muli %mul3A_8, %mul3A_6 : i32
      %dma_start3A_10 = tpu.memref_slice %arg2[%mul3A_9] : memref<32768xf32, #tpu.memory_space<hbm>> -> memref<2048xf32, #tpu.memory_space<hbm>>
      %dma_start3A_11 = tpu.memref_slice %arg2[%mul3A_9] : memref<32768xf32, #tpu.memory_space<hbm>> -> memref<2048xf32, #tpu.memory_space<hbm>>
      tpu.enqueue_dma source(%dma_start3A_11 : memref<2048xf32, #tpu.memory_space<hbm>>) target(%arg8 : memref<2048xf32, #tpu.memory_space<vmem>>) target_semaphore(%arg17 : memref<!tpu.dma_semaphore, #tpu.memory_space<semaphore_mem>>)
      tpu.enqueue_dma source(%arg6 : memref<1xi32, #tpu.memory_space<hbm>>) target(%arg12 : memref<1xi32, #tpu.memory_space<vmem>>) target_semaphore(%arg17 : memref<!tpu.dma_semaphore, #tpu.memory_space<semaphore_mem>>)
      %lt3A = arith.constant 13 : i32
      %lt3A_12 = arith.cmpi slt, %arg1, %lt3A : i32
      %convert_element_type3A_13 = arith.extui %lt3A_12 : i1 to i32
      %cond3A_14 = arith.constant 0 : i32
      %cond3A_15 = arith.cmpi ne, %convert_element_type3A_13, %cond3A_14 : i32
      scf.if %cond3A_15 {
        %dma_start3A_48 = arith.constant 0 : i32
        %dma_start3A_49 = tpu.memref_slice %arg11[%dma_start3A_48] : memref<416xf32, #tpu.memory_space<vmem>> -> memref<400xf32, #tpu.memory_space<vmem>>
        %dma_start3A_50 = arith.constant 0 : i32
        %dma_start3A_51 = tpu.memref_slice %arg11[%dma_start3A_50] : memref<416xf32, #tpu.memory_space<vmem>> -> memref<400xf32, #tpu.memory_space<vmem>>
        tpu.enqueue_dma source(%arg5 : memref<400xf32, #tpu.memory_space<hbm>>) target(%dma_start3A_51 : memref<400xf32, #tpu.memory_space<vmem>>) target_semaphore(%arg18 : memref<!tpu.dma_semaphore, #tpu.memory_space<semaphore_mem>>)
      } else {
      }
      %eq3A_16 = arith.constant 0 : i32
      %eq3A_17 = arith.cmpi eq, %arg1, %eq3A_16 : i32
      %convert_element_type3A_18 = arith.extui %eq3A_17 : i1 to i32
      %cond3A_19 = arith.constant 0 : i32
      %cond3A_20 = arith.cmpi ne, %convert_element_type3A_18, %cond3A_19 : i32
      scf.if %cond3A_20 {
        tpu.enqueue_dma source(%arg4 : memref<16xf32, #tpu.memory_space<hbm>>) target(%arg13 : memref<16xf32, #tpu.memory_space<vmem>>) target_semaphore(%arg19 : memref<!tpu.dma_semaphore, #tpu.memory_space<semaphore_mem>>)
      } else {
      }
      %parallel_loop3A = arith.constant 0 : i32
      %parallel_loop3A_21 = arith.constant 52 : i32
      %parallel_loop3A_22 = arith.constant 1 : i32
      scf.for %parallel_loop3A_48 = %parallel_loop3A to %parallel_loop3A_21 step %parallel_loop3A_22  : i32 {
        %parallel_loop3A_49 = arith.constant 16 : i32
        %parallel_loop3A_50 = arith.muli %parallel_loop3A_48, %parallel_loop3A_49 : i32
        %parallel_loop3A_51 = arith.constant 0 : i32
        %parallel_loop3A_52 = arith.index_cast %parallel_loop3A_51 : i32 to index
        %parallel_loop3A_53 = arith.index_cast %parallel_loop3A_50 : i32 to index
        %parallel_loop3A_54 = tpu.vector_load %arg10[%parallel_loop3A_52, %parallel_loop3A_53] {strides = array<i32>} : memref<1x832xf32, #tpu.memory_space<vmem>>, vector<16xf32>,
        tpu.vector_store %arg10[%parallel_loop3A_52, %parallel_loop3A_53], %broadcast_in_dim3A_4 {strides = array<i32>} : memref<1x832xf32, #tpu.memory_space<vmem>>, vector<16xf32>,
      } {sc.loop_unroll_factor = 4 : i64, sc.parallel_access}
      %eq3A_23 = arith.constant 0 : i32
      %eq3A_24 = arith.cmpi eq, %arg1, %eq3A_23 : i32
      %convert_element_type3A_25 = arith.extui %eq3A_24 : i1 to i32
      %cond3A_26 = arith.constant 0 : i32
      %cond3A_27 = arith.cmpi ne, %convert_element_type3A_25, %cond3A_26 : i32
      scf.if %cond3A_27 {
        "tpu.region"() ({
          %run_scoped3A = tpu.sem_alloc : memref<!tpu.dma_semaphore, #tpu.memory_space<semaphore_mem>>
          tpu.enqueue_dma source(%arg10 : memref<1x832xf32, #tpu.memory_space<vmem>>) target(%arg15 : memref<1x832xf32, #tpu.memory_space<vmem_shared>>) target_semaphore(%run_scoped3A : memref<!tpu.dma_semaphore, #tpu.memory_space<semaphore_mem>>)
          tpu.wait_dma2 semaphore(%run_scoped3A : memref<!tpu.dma_semaphore, #tpu.memory_space<semaphore_mem>>) src(%arg10 : memref<1x832xf32, #tpu.memory_space<vmem>>) dst(%arg15 : memref<1x832xf32, #tpu.memory_space<vmem_shared>>)
          tpu.yield
        }) : () -> ()
        %swap3A = arith.constant 0 : i32
        %swap3A_48 = arith.index_cast %swap3A : i32 to index
        %swap3A_49 = arith.constant 0 : index
        %swap3A_50 = tpu.vector_load %arg14[%swap3A_48, %swap3A_49] {strides = array<i32>} : memref<1x16xf32, #tpu.memory_space<vmem>>, vector<16xf32>,
        tpu.vector_store %arg14[%swap3A_48, %swap3A_49], %broadcast_in_dim3A_4 {strides = array<i32>} : memref<1x16xf32, #tpu.memory_space<vmem>>, vector<16xf32>,
        "tpu.region"() ({
          %run_scoped3A = tpu.sem_alloc : memref<!tpu.dma_semaphore, #tpu.memory_space<semaphore_mem>>
          tpu.enqueue_dma source(%arg14 : memref<1x16xf32, #tpu.memory_space<vmem>>) target(%arg16 : memref<1x16xf32, #tpu.memory_space<vmem_shared>>) target_semaphore(%run_scoped3A : memref<!tpu.dma_semaphore, #tpu.memory_space<semaphore_mem>>)
          tpu.wait_dma2 semaphore(%run_scoped3A : memref<!tpu.dma_semaphore, #tpu.memory_space<semaphore_mem>>) src(%arg14 : memref<1x16xf32, #tpu.memory_space<vmem>>) dst(%arg16 : memref<1x16xf32, #tpu.memory_space<vmem_shared>>)
          tpu.yield
        }) : () -> ()
      } else {
      }
      %dma_wait3A = tpu.memref_slice %arg3[%mul3A_6] : memref<16384xi32, #tpu.memory_space<hbm>> -> memref<1024xi32, #tpu.memory_space<hbm>>
      %dma_wait3A_28 = tpu.memref_slice %arg3[%mul3A_6] : memref<16384xi32, #tpu.memory_space<hbm>> -> memref<1024xi32, #tpu.memory_space<hbm>>
      tpu.wait_dma2 semaphore(%arg17 : memref<!tpu.dma_semaphore, #tpu.memory_space<semaphore_mem>>) src(%dma_wait3A_28 : memref<1024xi32, #tpu.memory_space<hbm>>) dst(%arg9 : memref<1024xi32, #tpu.memory_space<vmem>>)
      %dma_wait3A_29 = tpu.memref_slice %arg2[%mul3A_9] : memref<32768xf32, #tpu.memory_space<hbm>> -> memref<2048xf32, #tpu.memory_space<hbm>>
      %dma_wait3A_30 = tpu.memref_slice %arg2[%mul3A_9] : memref<32768xf32, #tpu.memory_space<hbm>> -> memref<2048xf32, #tpu.memory_space<hbm>>
      tpu.wait_dma2 semaphore(%arg17 : memref<!tpu.dma_semaphore, #tpu.memory_space<semaphore_mem>>) src(%dma_wait3A_30 : memref<2048xf32, #tpu.memory_space<hbm>>) dst(%arg8 : memref<2048xf32, #tpu.memory_space<vmem>>)
      tpu.wait_dma2 semaphore(%arg17 : memref<!tpu.dma_semaphore, #tpu.memory_space<semaphore_mem>>) src(%arg6 : memref<1xi32, #tpu.memory_space<hbm>>) dst(%arg12 : memref<1xi32, #tpu.memory_space<vmem>>)
      %barrier3A = arith.constant 0 : index
      tpu.barrier barrier_id(%barrier3A)
      %add3A = arith.constant 1.000000e+00 : f32
      %add3A_31 = vector.broadcast %add3A : f32 to vector<16xf32>
      %add3A_32 = arith.addf %broadcast_in_dim3A_4, %add3A_31 : vector<16xf32>
      %parallel_loop3A_33 = arith.constant 0 : i32
      %parallel_loop3A_34 = arith.constant 64 : i32
      %parallel_loop3A_35 = arith.constant 1 : i32
      scf.for %parallel_loop3A_48 = %parallel_loop3A_33 to %parallel_loop3A_34 step %parallel_loop3A_35  : i32 {
        %parallel_loop3A_49 = arith.constant 16 : i32
        %parallel_loop3A_50 = arith.muli %parallel_loop3A_48, %parallel_loop3A_49 : i32
        %parallel_loop3A_51 = arith.index_cast %parallel_loop3A_50 : i32 to index
        %parallel_loop3A_52 = tpu.vector_load %arg9[%parallel_loop3A_51] {strides = array<i32>} : memref<1024xi32, #tpu.memory_space<vmem>>, vector<16xi32>,
        %parallel_loop3A_53 = arith.constant 2 : i32
        %parallel_loop3A_54 = vector.broadcast %parallel_loop3A_53 : i32 to vector<16xi32>
        %parallel_loop3A_55 = arith.muli %iota3A, %parallel_loop3A_54 : vector<16xi32>
        %parallel_loop3A_56 = arith.constant 32 : i32
        %parallel_loop3A_57 = arith.muli %parallel_loop3A_48, %parallel_loop3A_56 : i32
        %parallel_loop3A_58 = vector.broadcast %parallel_loop3A_57 : i32 to vector<16xi32>
        %parallel_loop3A_59 = arith.addi %parallel_loop3A_55, %parallel_loop3A_58 : vector<16xi32>
        %parallel_loop3A_60 = tpu.vector_load_idx %arg8[%parallel_loop3A_59] : memref<2048xf32, #tpu.memory_space<vmem>>[vector<16xi32>], vector<16xf32>,
        %parallel_loop3A_61 = arith.constant 1 : i32
        %parallel_loop3A_62 = vector.broadcast %parallel_loop3A_61 : i32 to vector<16xi32>
        %parallel_loop3A_63 = arith.addi %parallel_loop3A_59, %parallel_loop3A_62 : vector<16xi32>
        %parallel_loop3A_64 = tpu.vector_load_idx %arg8[%parallel_loop3A_63] : memref<2048xf32, #tpu.memory_space<vmem>>[vector<16xi32>], vector<16xf32>,
        %parallel_loop3A_65 = arith.mulf %parallel_loop3A_60, %parallel_loop3A_60 : vector<16xf32>
        %parallel_loop3A_66 = arith.mulf %parallel_loop3A_64, %parallel_loop3A_64 : vector<16xf32>
        %parallel_loop3A_67 = arith.addf %parallel_loop3A_65, %parallel_loop3A_66 : vector<16xf32>
        tpu.vector_store_idx %arg10[%mul3A_3, %parallel_loop3A_52], %add3A_32 {add = true} : memref<1x832xf32, #tpu.memory_space<vmem>>[vector<16xi32>, vector<16xi32>], vector<16xf32>,
        %parallel_loop3A_68 = arith.constant 208 : i32
        %parallel_loop3A_69 = vector.broadcast %parallel_loop3A_68 : i32 to vector<16xi32>
        %parallel_loop3A_70 = arith.addi %parallel_loop3A_52, %parallel_loop3A_69 : vector<16xi32>
        tpu.vector_store_idx %arg10[%mul3A_3, %parallel_loop3A_70], %parallel_loop3A_60 {add = true} : memref<1x832xf32, #tpu.memory_space<vmem>>[vector<16xi32>, vector<16xi32>], vector<16xf32>,
        %parallel_loop3A_71 = arith.constant 416 : i32
        %parallel_loop3A_72 = vector.broadcast %parallel_loop3A_71 : i32 to vector<16xi32>
        %parallel_loop3A_73 = arith.addi %parallel_loop3A_52, %parallel_loop3A_72 : vector<16xi32>
        tpu.vector_store_idx %arg10[%mul3A_3, %parallel_loop3A_73], %parallel_loop3A_64 {add = true} : memref<1x832xf32, #tpu.memory_space<vmem>>[vector<16xi32>, vector<16xi32>], vector<16xf32>,
        %parallel_loop3A_74 = arith.constant 624 : i32
        %parallel_loop3A_75 = vector.broadcast %parallel_loop3A_74 : i32 to vector<16xi32>
        %parallel_loop3A_76 = arith.addi %parallel_loop3A_52, %parallel_loop3A_75 : vector<16xi32>
        tpu.vector_store_idx %arg10[%mul3A_3, %parallel_loop3A_76], %parallel_loop3A_67 {add = true} : memref<1x832xf32, #tpu.memory_space<vmem>>[vector<16xi32>, vector<16xi32>], vector<16xf32>,
      } {sc.loop_unroll_factor = 4 : i64, sc.parallel_access}
      "tpu.region"() ({
        %run_scoped3A = tpu.sem_alloc : memref<!tpu.dma_semaphore, #tpu.memory_space<semaphore_mem>>
        %dma_start3A_48 = arith.constant 0 : i32
        %dma_start3A_49 = arith.constant 0 : i32
        %dma_start3A_50 = tpu.memref_slice %arg15[%dma_start3A_48, %dma_start3A_49] : memref<1x832xf32, #tpu.memory_space<vmem_shared>> -> memref<1x832xf32, #tpu.memory_space<vmem_shared>>
        tpu.enqueue_indirect_dma source(%arg10 : memref<1x832xf32, #tpu.memory_space<vmem>>) target(%dma_start3A_50 : memref<1x832xf32, #tpu.memory_space<vmem_shared>>) offsets(%arg12 : memref<1xi32, #tpu.memory_space<vmem>>) semaphore(%run_scoped3A : memref<!tpu.dma_semaphore, #tpu.memory_space<semaphore_mem>>) {add = true}
        %dma_wait3A_51 = arith.constant 0 : i32
        %dma_wait3A_52 = arith.constant 0 : i32
        %dma_wait3A_53 = tpu.memref_slice %arg15[%dma_wait3A_51, %dma_wait3A_52] : memref<1x832xf32, #tpu.memory_space<vmem_shared>> -> memref<1x832xf32, #tpu.memory_space<vmem_shared>>
        tpu.wait_indirect_dma semaphore(%run_scoped3A : memref<!tpu.dma_semaphore, #tpu.memory_space<semaphore_mem>>) src(%arg10 : memref<1x832xf32, #tpu.memory_space<vmem>>) dst(%dma_wait3A_53 : memref<1x832xf32, #tpu.memory_space<vmem_shared>>)
        tpu.yield
      }) : () -> ()
      %barrier3A_36 = arith.constant 0 : index
      tpu.barrier barrier_id(%barrier3A_36)
      %lt3A_37 = arith.constant 13 : i32
      %lt3A_38 = arith.cmpi slt, %arg1, %lt3A_37 : i32
      %convert_element_type3A_39 = arith.extui %lt3A_38 : i1 to i32
      %cond3A_40 = arith.constant 0 : i32
      %cond3A_41 = arith.cmpi ne, %convert_element_type3A_39, %cond3A_40 : i32
      scf.if %cond3A_41 {
        %dma_wait3A_48 = arith.constant 0 : i32
        %dma_wait3A_49 = tpu.memref_slice %arg11[%dma_wait3A_48] : memref<416xf32, #tpu.memory_space<vmem>> -> memref<400xf32, #tpu.memory_space<vmem>>
        %dma_wait3A_50 = arith.constant 0 : i32
        %dma_wait3A_51 = tpu.memref_slice %arg11[%dma_wait3A_50] : memref<416xf32, #tpu.memory_space<vmem>> -> memref<400xf32, #tpu.memory_space<vmem>>
        tpu.wait_dma2 semaphore(%arg18 : memref<!tpu.dma_semaphore, #tpu.memory_space<semaphore_mem>>) src(%arg5 : memref<400xf32, #tpu.memory_space<hbm>>) dst(%dma_wait3A_51 : memref<400xf32, #tpu.memory_space<vmem>>)
        %swap3A = arith.constant 400 : index
        %swap3A_52 = tpu.vector_load %arg11[%swap3A] {strides = array<i32>} : memref<416xf32, #tpu.memory_space<vmem>>, vector<16xf32>,
        tpu.vector_store %arg11[%swap3A], %broadcast_in_dim3A_4 {strides = array<i32>} : memref<416xf32, #tpu.memory_space<vmem>>, vector<16xf32>,
        "tpu.region"() ({
          %run_scoped3A = tpu.sem_alloc : memref<!tpu.dma_semaphore, #tpu.memory_space<semaphore_mem>>
          tpu.enqueue_dma source(%arg15 : memref<1x832xf32, #tpu.memory_space<vmem_shared>>) target(%arg10 : memref<1x832xf32, #tpu.memory_space<vmem>>) target_semaphore(%run_scoped3A : memref<!tpu.dma_semaphore, #tpu.memory_space<semaphore_mem>>)
          tpu.wait_dma2 semaphore(%run_scoped3A : memref<!tpu.dma_semaphore, #tpu.memory_space<semaphore_mem>>) src(%arg15 : memref<1x832xf32, #tpu.memory_space<vmem_shared>>) dst(%arg10 : memref<1x832xf32, #tpu.memory_space<vmem>>)
          tpu.yield
        }) : () -> ()
        %mul3A_53 = arith.constant 16 : i32
        %mul3A_54 = arith.muli %arg1, %mul3A_53 : i32
        %get3A = arith.constant 0 : i32
        %get3A_55 = arith.index_cast %get3A : i32 to index
        %get3A_56 = arith.index_cast %mul3A_54 : i32 to index
        %get3A_57 = tpu.vector_load %arg10[%get3A_55, %get3A_56] {strides = array<i32>} : memref<1x832xf32, #tpu.memory_space<vmem>>, vector<16xf32>,
        %add3A_58 = arith.constant 208 : i32
        %add3A_59 = arith.addi %mul3A_54, %add3A_58 : i32
        %get3A_60 = arith.constant 0 : i32
        %get3A_61 = arith.index_cast %get3A_60 : i32 to index
        %get3A_62 = arith.index_cast %add3A_59 : i32 to index
        %get3A_63 = tpu.vector_load %arg10[%get3A_61, %get3A_62] {strides = array<i32>} : memref<1x832xf32, #tpu.memory_space<vmem>>, vector<16xf32>,
        %add3A_64 = arith.constant 416 : i32
        %add3A_65 = arith.addi %mul3A_54, %add3A_64 : i32
        %get3A_66 = arith.constant 0 : i32
        %get3A_67 = arith.index_cast %get3A_66 : i32 to index
        %get3A_68 = arith.index_cast %add3A_65 : i32 to index
        %get3A_69 = tpu.vector_load %arg10[%get3A_67, %get3A_68] {strides = array<i32>} : memref<1x832xf32, #tpu.memory_space<vmem>>, vector<16xf32>,
        %add3A_70 = arith.constant 624 : i32
        %add3A_71 = arith.addi %mul3A_54, %add3A_70 : i32
        %get3A_72 = arith.constant 0 : i32
        %get3A_73 = arith.index_cast %get3A_72 : i32 to index
        %get3A_74 = arith.index_cast %add3A_71 : i32 to index
        %get3A_75 = tpu.vector_load %arg10[%get3A_73, %get3A_74] {strides = array<i32>} : memref<1x832xf32, #tpu.memory_space<vmem>>, vector<16xf32>,
        %add3A_76 = vector.broadcast %mul3A_54 : i32 to vector<16xi32>
        %add3A_77 = arith.addi %iota3A, %add3A_76 : vector<16xi32>
        %mul3A_78 = arith.constant 2 : i32
        %mul3A_79 = vector.broadcast %mul3A_78 : i32 to vector<16xi32>
        %mul3A_80 = arith.muli %add3A_77, %mul3A_79 : vector<16xi32>
        %gather3A = tpu.vector_load_idx %arg11[%mul3A_80] : memref<416xf32, #tpu.memory_space<vmem>>[vector<16xi32>], vector<16xf32>,
        %add3A_81 = arith.constant 1 : i32
        %add3A_82 = vector.broadcast %add3A_81 : i32 to vector<16xi32>
        %add3A_83 = arith.addi %mul3A_80, %add3A_82 : vector<16xi32>
        %gather3A_84 = tpu.vector_load_idx %arg11[%add3A_83] : memref<416xf32, #tpu.memory_space<vmem>>[vector<16xi32>], vector<16xf32>,
        %mul3A_85 = arith.mulf %gather3A, %get3A_63 : vector<16xf32>
        %mul3A_86 = arith.mulf %gather3A_84, %get3A_69 : vector<16xf32>
        %add3A_87 = arith.addf %mul3A_85, %mul3A_86 : vector<16xf32>
        %mul3A_88 = arith.constant 2.000000e+00 : f32
        %mul3A_89 = vector.broadcast %mul3A_88 : f32 to vector<16xf32>
        %mul3A_90 = arith.mulf %mul3A_89, %add3A_87 : vector<16xf32>
        %sub3A = arith.subf %get3A_75, %mul3A_90 : vector<16xf32>
        %max3A = arith.constant 1.000000e+00 : f32
        %max3A_91 = vector.broadcast %max3A : f32 to vector<16xf32>
        %max3A_92 = arith.maximumf %get3A_57, %max3A_91 : vector<16xf32>
        %div3A = arith.divf %sub3A, %max3A_92 : vector<16xf32>
        %gt3A = arith.constant 0.000000e+00 : f32
        %gt3A_93 = vector.broadcast %gt3A : f32 to vector<16xf32>
        %gt3A_94 = arith.cmpf ogt, %get3A_57, %gt3A_93 : vector<16xf32>
        %mul3A_95 = arith.mulf %gather3A, %gather3A : vector<16xf32>
        %mul3A_96 = arith.mulf %gather3A_84, %gather3A_84 : vector<16xf32>
        %add3A_97 = arith.addf %mul3A_95, %mul3A_96 : vector<16xf32>
        %jit3A = arith.constant 0.000000e+00 : f32
        %broadcast_in_dim3A_98 = vector.broadcast %jit3A : f32 to vector<16xf32>
        %select_n3A = arith.select %gt3A_94, %add3A_97, %broadcast_in_dim3A_98 : vector<16xi1>, vector<16xf32>
        %add3A_99 = arith.addf %div3A, %select_n3A : vector<16xf32>
        %swap3A_100 = arith.constant 0 : i32
        %swap3A_101 = arith.index_cast %swap3A_100 : i32 to index
        %swap3A_102 = arith.constant 0 : index
        %swap3A_103 = tpu.vector_load %arg14[%swap3A_101, %swap3A_102] {strides = array<i32>} : memref<1x16xf32, #tpu.memory_space<vmem>>, vector<16xf32>,
        tpu.vector_store %arg14[%swap3A_101, %swap3A_102], %add3A_99 {strides = array<i32>} : memref<1x16xf32, #tpu.memory_space<vmem>>, vector<16xf32>,
        "tpu.region"() ({
          %run_scoped3A = tpu.sem_alloc : memref<!tpu.dma_semaphore, #tpu.memory_space<semaphore_mem>>
          %dma_start3A_104 = arith.constant 0 : i32
          %dma_start3A_105 = arith.constant 0 : i32
          %dma_start3A_106 = tpu.memref_slice %arg16[%dma_start3A_104, %dma_start3A_105] : memref<1x16xf32, #tpu.memory_space<vmem_shared>> -> memref<1x16xf32, #tpu.memory_space<vmem_shared>>
          tpu.enqueue_indirect_dma source(%arg14 : memref<1x16xf32, #tpu.memory_space<vmem>>) target(%dma_start3A_106 : memref<1x16xf32, #tpu.memory_space<vmem_shared>>) offsets(%arg12 : memref<1xi32, #tpu.memory_space<vmem>>) semaphore(%run_scoped3A : memref<!tpu.dma_semaphore, #tpu.memory_space<semaphore_mem>>) {add = true}
          %dma_wait3A_107 = arith.constant 0 : i32
          %dma_wait3A_108 = arith.constant 0 : i32
          %dma_wait3A_109 = tpu.memref_slice %arg16[%dma_wait3A_107, %dma_wait3A_108] : memref<1x16xf32, #tpu.memory_space<vmem_shared>> -> memref<1x16xf32, #tpu.memory_space<vmem_shared>>
          tpu.wait_indirect_dma semaphore(%run_scoped3A : memref<!tpu.dma_semaphore, #tpu.memory_space<semaphore_mem>>) src(%arg14 : memref<1x16xf32, #tpu.memory_space<vmem>>) dst(%dma_wait3A_109 : memref<1x16xf32, #tpu.memory_space<vmem_shared>>)
          tpu.yield
        }) : () -> ()
      } else {
      }
      %barrier3A_42 = arith.constant 0 : index
      tpu.barrier barrier_id(%barrier3A_42)
      %eq3A_43 = arith.constant 0 : i32
      %eq3A_44 = arith.cmpi eq, %arg1, %eq3A_43 : i32
      %convert_element_type3A_45 = arith.extui %eq3A_44 : i1 to i32
      %cond3A_46 = arith.constant 0 : i32
      %cond3A_47 = arith.cmpi ne, %convert_element_type3A_45, %cond3A_46 : i32
      scf.if %cond3A_47 {
        tpu.wait_dma2 semaphore(%arg19 : memref<!tpu.dma_semaphore, #tpu.memory_space<semaphore_mem>>) src(%arg4 : memref<16xf32, #tpu.memory_space<hbm>>) dst(%arg13 : memref<16xf32, #tpu.memory_space<vmem>>)
        "tpu.region"() ({
          %run_scoped3A_65 = tpu.sem_alloc : memref<!tpu.dma_semaphore, #tpu.memory_space<semaphore_mem>>
          tpu.enqueue_dma source(%arg16 : memref<1x16xf32, #tpu.memory_space<vmem_shared>>) target(%arg14 : memref<1x16xf32, #tpu.memory_space<vmem>>) target_semaphore(%run_scoped3A_65 : memref<!tpu.dma_semaphore, #tpu.memory_space<semaphore_mem>>)
          tpu.wait_dma2 semaphore(%run_scoped3A_65 : memref<!tpu.dma_semaphore, #tpu.memory_space<semaphore_mem>>) src(%arg16 : memref<1x16xf32, #tpu.memory_space<vmem_shared>>) dst(%arg14 : memref<1x16xf32, #tpu.memory_space<vmem>>)
          tpu.yield
        }) : () -> ()
        %get3A = arith.constant 0 : i32
        %get3A_48 = arith.index_cast %get3A : i32 to index
        %get3A_49 = arith.constant 0 : index
        %get3A_50 = tpu.vector_load %arg14[%get3A_48, %get3A_49] {strides = array<i32>} : memref<1x16xf32, #tpu.memory_space<vmem>>, vector<16xf32>,
        %reduce_sum3A = arith.constant true
        %reduce_sum3A_51 = vector.broadcast %reduce_sum3A : i1 to vector<16xi1>
        %reduce_sum3A_52 = tpu.scan <sum>, %get3A_50 masked %reduce_sum3A_51 : vector<16xf32>, vector<16xi1> -> vector<16xf32>
        %reduce_sum3A_53 = vector.extract %reduce_sum3A_52[15] : f32 from vector<16xf32>
        %add3A_54 = vector.broadcast %reduce_sum3A_53 : f32 to vector<16xf32>
        %add3A_55 = arith.addf %broadcast_in_dim3A_4, %add3A_54 : vector<16xf32>
        %get3A_56 = arith.constant 0 : index
        %get3A_57 = tpu.vector_load %arg13[%get3A_56] {strides = array<i32>} : memref<16xf32, #tpu.memory_space<vmem>>, vector<16xf32>,
        %mul3A_58 = arith.mulf %add3A_55, %get3A_57 : vector<16xf32>
        %mul3A_59 = arith.constant 3.05175781E-5 : f32
        %mul3A_60 = vector.broadcast %mul3A_59 : f32 to vector<16xf32>
        %mul3A_61 = arith.mulf %mul3A_58, %mul3A_60 : vector<16xf32>
        %swap3A = arith.constant 0 : i32
        %swap3A_62 = arith.index_cast %swap3A : i32 to index
        %swap3A_63 = arith.constant 0 : index
        %swap3A_64 = tpu.vector_load %arg14[%swap3A_62, %swap3A_63] {strides = array<i32>} : memref<1x16xf32, #tpu.memory_space<vmem>>, vector<16xf32>,
        tpu.vector_store %arg14[%swap3A_62, %swap3A_63], %mul3A_61 {strides = array<i32>} : memref<1x16xf32, #tpu.memory_space<vmem>>, vector<16xf32>,
        %run_scoped3A = arith.constant 0 : i32
        "tpu.region"() ({
          %run_scoped3A_65 = tpu.sem_alloc : memref<!tpu.dma_semaphore, #tpu.memory_space<semaphore_mem>>
          %dma_start3A_66 = arith.constant 0 : i32
          %dma_start3A_67 = tpu.memref_slice %arg14[%run_scoped3A, %dma_start3A_66] : memref<1x16xf32, #tpu.memory_space<vmem>> -> memref<1x16xf32, #tpu.memory_space<vmem>>
          %dma_start3A_68 = tpu.memref_squeeze %dma_start3A_67 : memref<1x16xf32, #tpu.memory_space<vmem>> -> memref<16xf32, #tpu.memory_space<vmem>>
          %dma_start3A_69 = arith.constant 0 : i32
          %dma_start3A_70 = tpu.memref_slice %arg14[%run_scoped3A, %dma_start3A_69] : memref<1x16xf32, #tpu.memory_space<vmem>> -> memref<1x16xf32, #tpu.memory_space<vmem>>
          %dma_start3A_71 = tpu.memref_squeeze %dma_start3A_70 : memref<1x16xf32, #tpu.memory_space<vmem>> -> memref<16xf32, #tpu.memory_space<vmem>>
          tpu.enqueue_dma source(%dma_start3A_71 : memref<16xf32, #tpu.memory_space<vmem>>) target(%arg7 : memref<16xf32, #tpu.memory_space<hbm>>) target_semaphore(%run_scoped3A_65 : memref<!tpu.dma_semaphore, #tpu.memory_space<semaphore_mem>>)
          %dma_wait3A_72 = arith.constant 0 : i32
          %dma_wait3A_73 = tpu.memref_slice %arg14[%run_scoped3A, %dma_wait3A_72] : memref<1x16xf32, #tpu.memory_space<vmem>> -> memref<1x16xf32, #tpu.memory_space<vmem>>
          %dma_wait3A_74 = tpu.memref_squeeze %dma_wait3A_73 : memref<1x16xf32, #tpu.memory_space<vmem>> -> memref<16xf32, #tpu.memory_space<vmem>>
          %dma_wait3A_75 = arith.constant 0 : i32
          %dma_wait3A_76 = tpu.memref_slice %arg14[%run_scoped3A, %dma_wait3A_75] : memref<1x16xf32, #tpu.memory_space<vmem>> -> memref<1x16xf32, #tpu.memory_space<vmem>>
          %dma_wait3A_77 = tpu.memref_squeeze %dma_wait3A_76 : memref<1x16xf32, #tpu.memory_space<vmem>> -> memref<16xf32, #tpu.memory_space<vmem>>
          tpu.wait_dma2 semaphore(%run_scoped3A_65 : memref<!tpu.dma_semaphore, #tpu.memory_space<semaphore_mem>>) src(%dma_wait3A_77 : memref<16xf32, #tpu.memory_space<vmem>>) dst(%arg7 : memref<16xf32, #tpu.memory_space<hbm>>)
          tpu.yield
        }) : () -> ()
      } else {
      }
    } else {
    }
    return
  }
}

</mosaic_0001>

<sc_bundles>
// kernel: kernel.3.cloned.1.call-start
scs
__scs_entry_jumppad:
0x0: {  	(pc) =	sbr.rel $0x88, $3  }
0x1: {  	(tag) =	ssettag $0x0;
	lr =	simm.s32 $0x1  }
0x2: {  	[smem:$0x3F9D] =	sst lr;
	_ =	strace $0xD0000000  }
0x3: {  	_ = 	snop  }
0x4: {  	_ = 	snop  }
0x5: {  	_ = 	snop  }
0x6: {  	_ = 	snop  }
0x7: {  	_ = 	snop  }
__scs_overlays_trampoline_lowered:
0x8: {  	[smem:$0x3FAC] =	sst s0  }
0x9: {  	[smem:$0x3FAD] =	sst s1  }
0xa: {  	[smem:$0x3FAE] =	sst s2  }
0xb: {  	[smem:$0x3FAF] =	sst s3  }
0xc: {  	[smem:$0x3FB0] =	sst s4  }
0xd: {  	[smem:$0x3FB1] =	sst s5  }
0xe: {  	[smem:$0x3FB2] =	sst s6  }
0xf: {  	[smem:$0x3FB3] =	sst s7  }
0x10: {  	[smem:$0x3FB4] =	sst s8  }
0x11: {  	[smem:$0x3FB5] =	sst s9;
	s0 =	simm.s32 @!p0 $0x0  }
0x12: {  	s1 =	sld [smem:$0x3F9B];
	s0 =	simm.s32 @p0 $0x1  }
0x13: {  	[smem:$0x3FB6] =	sst s0;
	s0 =	simm.s32 @!p1 $0x0  }
0x14: {  	s2 =	sld [smem:$0x3F9A];
	s0 =	simm.s32 @p1 $0x1  }
0x15: {  	[smem:$0x3FB7] =	sst s0;
	s0 =	simm.s32 @!p2 $0x0  }
0x16: {  	s3 =	sld [smem:$0x3FDB];
	s0 =	simm.s32 @p2 $0x1  }
0x17: {  	s4 =	simm.s32 $0x1BF5;
	[smem:$0x3FB9] =	sst s0  }
0x18: {  	s0 =	sld [smem:$0x3F9C];
	_ =	swait.ge [sflag:s4], $0x0  }
0x19: {  	s7 =	sld [smem:$0x3F9D]  }
0x1a: {  	s8 =	sadd.s32 $0xFFFFE003, lr  }
0x1b: {  	s9 =	sadd.s32 $0xFFFFFEF7, lr;
	s5 =	simm.s32 $0xFFFFFFFF;
	p2 =	slt.u32 s8, $0xFFFFF086  }
0x1c: {  	p1 =	slt.u32 s9, $0xF7A;
	s5 =	simm.s32 @!p2 $0x0  }
0x1d: {  	s5 =	simm.s32 @p1 $0x1;
	p0 =	seq.s32 s7, s2  }
0x1e: {  	s7 =	smul.u32 @!p0 $0xF7A, s2;
	p2 =	seq.s32 @!p0 s5, $0x0  }
0x1f: {  	s9 =	smul.u32 $0xF7A, s1;
	s8 =	simm.s32 @!p0 $0x1BF5;
	p2 =	por !p2, p0  }
0x20: {  	[sflag:s8] =	ssyncset.s32 @!p0 $0xFFFFF086;
	s6 =	sadd.s32 @!p0 s3, s7;
	s7 =	simm.s32 @!p0 $0x108  }
0x21: {  	s3 =	sadd.s32 s3, s9;
	s6 =	sadd.s32 @!p0 $0x88, s6;
	s7 =	simm.s32 @p2 $0x1082  }
0x22: {  	[simem:s7], [sflag:s8] =	dma.local @!p0 [hbm:s6], $0xF7A  }
0x23: {  	s9 =	sor.u32 $0xD0000000, s2;
	s6 =	simm.s32 $0x108;
	_ =	swait.ge @!p0 [sflag:s8], $0x0  }
0x24: {  	s3 =	sadd.s32 $0x88, s3;
	s6 =	simm.s32 @!p1 $0x1082;
	[sflag:s4] =	ssyncset.s32 $0xFFFFF086  }
0x25: {  	[simem:s6], [sflag:s4] =	dma.local [hbm:s3], $0xF7A  }
0x26: {  	[smem:$0x3F9D] =	sst s1;
	(tag) =	ssettag s2;
	_ =	strace s9  }
0x27: {  	s1 =	sld [smem:$0x3FAD]  }
0x28: {  	s2 =	sld [smem:$0x3FAE]  }
0x29: {  	s4 =	sld [smem:$0x3FB0]  }
0x2a: {  	p0 =	seq.s32 s5, $0x0;
	s5 =	sld [smem:$0x3FB1]  }
0x2b: {  	s6 =	sld [smem:$0x3FB2]  }
0x2c: {  	s7 =	sld [smem:$0x3FB3]  }
0x2d: {  	s3 =	simm.s32 $0x108;
	s8 =	sld [smem:$0x3FB4]  }
0x2e: {  	s3 =	simm.s32 @!p0 $0x1082;
	s9 =	sld [smem:$0x3FB5]  }
0x2f: {  	lr =	sadd.s32 s0, s3;
	s0 =	sld [smem:$0x3FAC]  }
0x30: {  	s3 =	sld [smem:$0x3FAF]  }
0x31: {  	[smem:$0x3FB8] =	sst s10  }
0x32: {  	s10 =	sld [smem:$0x3FB6];
	_ =	sdelay $0x3  }
0x33: {  	p0 =	seq.s32 s10, $0x1;
	s10 =	sld [smem:$0x3FB8];
	_ =	sdelay $0x3  }
0x34: {  	[smem:$0x3FB8] =	sst s10  }
0x35: {  	s10 =	sld [smem:$0x3FB7];
	_ =	sdelay $0x3  }
0x36: {  	p1 =	seq.s32 s10, $0x1;
	s10 =	sld [smem:$0x3FB8];
	_ =	sdelay $0x3  }
0x37: {  	[smem:$0x3FB8] =	sst s10  }
0x38: {  	s10 =	sld [smem:$0x3FB9]  }
0x39: {  	_ = 	snop;
	(pc) =	sbr.ind lr, $3  }
0x3a: {  	_ = 	snop  }
0x3b: {  	_ = 	snop  }
0x3c: {  	p2 =	seq.s32 s10, $0x1;
	s10 =	sld [smem:$0x3FB8]  }
0x3d: {  	_ =	shalt  }
0x3e: {  	_ =	shalt  }
0x3f: {  	_ =	shalt  }
0x40: {  	_ =	shalt  }
0x41: {  	_ =	shalt  }
0x42: {  	_ =	shalt  }
0x43: {  	_ =	shalt  }
0x44: {  	_ =	shalt  }
0x45: {  	_ =	shalt  }
0x46: {  	_ =	shalt  }
0x47: {  	_ =	shalt  }
0x48: {  	_ =	shalt  }
0x49: {  	_ =	shalt  }
0x4a: {  	_ =	shalt  }
0x4b: {  	_ =	shalt  }
0x4c: {  	_ =	shalt  }
0x4d: {  	_ =	shalt  }
0x4e: {  	_ =	shalt  }
0x4f: {  	_ =	shalt  }
0x50: {  	_ =	shalt  }
0x51: {  	_ =	shalt  }
0x52: {  	_ =	shalt  }
0x53: {  	_ =	shalt  }
0x54: {  	_ =	shalt  }
0x55: {  	_ =	shalt  }
0x56: {  	_ =	shalt  }
0x57: {  	_ =	shalt  }
0x58: {  	_ =	shalt  }
0x59: {  	_ =	shalt  }
0x5a: {  	_ =	shalt  }
0x5b: {  	_ =	shalt  }
0x5c: {  	_ =	shalt  }
0x5d: {  	_ =	shalt  }
0x5e: {  	_ =	shalt  }
0x5f: {  	_ =	shalt  }
0x60: {  	_ =	shalt  }
0x61: {  	_ =	shalt  }
0x62: {  	_ =	shalt  }
0x63: {  	_ =	shalt  }
0x64: {  	_ =	shalt  }
0x65: {  	_ =	shalt  }
0x66: {  	_ =	shalt  }
0x67: {  	_ =	shalt  }
0x68: {  	_ =	shalt  }
0x69: {  	_ =	shalt  }
0x6a: {  	_ =	shalt  }
0x6b: {  	_ =	shalt  }
0x6c: {  	_ =	shalt  }
0x6d: {  	_ =	shalt  }
0x6e: {  	_ =	shalt  }
0x6f: {  	_ =	shalt  }
0x70: {  	_ =	shalt  }
0x71: {  	_ =	shalt  }
0x72: {  	_ =	shalt  }
0x73: {  	_ =	shalt  }
0x74: {  	_ =	shalt  }
0x75: {  	_ =	shalt  }
0x76: {  	_ =	shalt  }
0x77: {  	_ =	shalt  }
0x78: {  	_ =	shalt  }
0x79: {  	_ =	shalt  }
0x7a: {  	_ =	shalt  }
0x7b: {  	_ =	shalt  }
0x7c: {  	_ =	shalt  }
0x7d: {  	_ =	shalt  }
0x7e: {  	_ =	shalt  }
0x7f: {  	_ =	shalt  }
0x80: {  	_ =	shalt  }
0x81: {  	_ =	shalt  }
0x82: {  	_ =	shalt  }
0x83: {  	_ =	shalt  }
0x84: {  	_ =	shalt  }
0x85: {  	_ =	shalt  }
0x86: {  	_ =	shalt  }
0x87: {  	_ =	shalt  }
.Lfunc_end0:
.L_simem_size_0:
called_computation_lowered:
.L_overlay_start_0:
0x88: {  	s2 =	sld [smem:$0x3FD9]  }
0x89: {  	s3 =	sld [smem:$0x3FFE];
	_ =	sdelay $0x1  }
0x8a: {  	s1 =	srdreg.scid  }
0x8b: {  	s0 =	sand.u32 $0x1, s1  }
0x8c: {  	s17 =	sshll.u32 s0, $0xA;
	s2 =	sadd.s32 s3, s2  }
0x8d: {  	s2 =	sadd.s32 s2, s17  }
0x8e: {  	[smem:$0x3FC4] =	sst s2  }
0x8f: {  	_ = 	snop  }
0x90: {  	s2 =	sld [smem:$0x3FC8]  }
0x91: {  	s18 =	sld [smem:$0x3FD0];
	(tm) =	ssettm $0x1  }
0x92: {  	s4 =	sld [smem:$0x3FFB];
	_ =	sdelay $0x3  }
0x93: {  	_ =	strace s4  }
0x94: {  	s4 =	sld [smem:$0x3FFC];
	_ =	sdelay $0x3  }
0x95: {  	_ =	strace s4  }
0x96: {  	s4 =	sld [smem:$0x3FFD];
	_ =	sdelay $0x3  }
0x97: {  	_ =	strace s4  }
0x98: {  	_ =	strace $0x8FFFFFFF  }
0x99: {  	s19 =	sld [smem:$0x3FDB];
	_ =	sdelay $0x1  }
0x9a: {  	s5 =	simm.s32 $_scs_section_size  }
0x9b: {  	s6 =	simm.s32 $_size__tile_overlayer_lowered;
	s7 =	simm.s32 $_tile_overlayer_lowered  }
0x9c: {  	s22 =	simm.s32 $0x1BFF;
	s21 =	sshll.u32 s7, $0x1;
	s4 =	sadd.s32 s5, s19  }
0x9d: {  	s8 =	simm.s32 $0x0;
	s20 =	sshll.u32 s6, $0x1;
	s6 =	sadd.s32 s21, s4  }
0x9e: {  	[timem:s8], [sflag:s22] =	dma.local [hbm:s6], s20  }
0x9f: {  	_ =	swait.ge [sflag:s22], s20  }
0xa0: {  	s5 =	ssub.s32 $0x0, s20;
	[sflag:s22] =	ssyncset.done $0x0  }
0xa1: {  	[sflag:s22] =	ssyncadd.s32 s5;
	_ =	sdelay $0x1  }
0xa2: {  	s23 =	simm.s32 $0x1B8B  }
0xa3: {  	_ =	swait.ge [sflag:s23], $0x1  }
0xa4: {  	[sflag:s23] =	ssyncset.done $0x0  }
0xa5: {  	s25 =	simm.s32 $0x1B8E;
	s24 =	sld [smem:$0x3FFE];
	[sflag:s23] =	ssyncadd.s32 $0xFFFFFFFF  }
0xa6: {  	s26 =	simm.s32 $execute0_lowered;
	[smem:$0x3FD2] =	sst s25  }
0xa7: {  	s6 =	sshll.u32 s26, $0x1;
	_ =	strace $0x80000046;
	[dreg:$0x1] =	wrdreg $0xFFFFFFFF  }
0xa8: {  	s28 =	simm.s32 $_size_execute0_lowered;
	s4 =	sadd.s32 s4, s6;
	[dreg:$0x0] =	wrdreg $0x0  }
0xa9: {  	s6 =	sshll.u32 s28, $0x1;
	[dreg:$0x2] =	wrdreg s4  }
0xaa: {  	[dreg:$0x3] =	wrdreg s6  }
0xab: {  	[dreg:$0x4] =	wrdreg $0xC0  }
0xac: {  	_ =	task [dreg:s8], $0x5FFFF  }
0xad: {  	[dreg:$0x1] =	wrdreg $0xFFFFFFFF  }
0xae: {  	[dreg:$0x0] =	wrdreg $0x60  }
0xaf: {  	[dreg:$0x2] =	wrdreg s24  }
0xb0: {  	[dreg:$0x3] =	wrdreg s2  }
0xb1: {  	[dreg:$0x4] =	wrdreg s18  }
0xb2: {  	[dreg:$0x5] =	wrdreg $0x13000  }
0xb3: {  	[dreg:$0x6] =	wrdreg $0x13380  }
0xb4: {  	[dreg:$0x7] =	wrdreg $0x9  }
0xb5: {  	_ =	task.clear_ibuf [dreg:s8], $0x8FFFF;
	_ =	strace $0x90000046  }
0xb6: {  	s29 =	simm.s32 $0x9;
	_ =	strace $0x80000048  }
0xb7: {  	_ =	swait.ge [sflag:s29], $0x1  }
0xb8: {  	[sflag:s29] =	ssyncadd.s32 $0xFFFFFFFF  }
0xb9: {  	_ =	strace $0x90000048  }
0xba: {  	_ =	sfence  }
0xbb: {  	s30 =	sld [smem:$0x0];
	_ =	sdelay $0x2  }
0xbc: {  	s31 =	sshll.u32 s1, $0xD;
	s1 =	sshrl.u32 s1, $0x2  }
0xbd: {  	s3 =	sand.u32 $0x4000, s31;
	s1 =	sadd.s32 s1, s30  }
0xbe: {  	s0 =	sor.u32 s3, s0;
	s1 =	sshll.u32 s1, $0x11  }
0xbf: {  	s0 =	sor.u32 s1, s0  }
0xc0: {  	s0 =	sadd.s32 $0x8F2B, s0  }
0xc1: {  	[sflag:s0] =	ssyncadd.remote.s32 $0x1  }
0xc2: {  	_ =	sfence.sel $0xFFFF  }
0xc3: {  	[dreg:$0x0] =	wrdreg $0xFFFFFFFF;
	(pc) =	sbr.abs _section_cstart, $3  }
0xc4: {  	[dreg:$0x1] =	wrdreg $0xFFFFFFFF  }
0xc5: {  	_ =	task.clear_ibuf [dreg:s8], $0x2FFFF;
	_ =	strace $0x9FFFFFFF  }
0xc6: {  	(tm) =	ssettm $0x7FFFFFFF  }
0xc7: {  	_ =	shalt  }
tec
execute0_lowered:
.L_overlay_start_1:
0x0: {  	(tag) =	ssettag $0x1  }
0x1: {  	s2 =	srdreg.scid  }
0x2: {  	s5 =	rddreg [dreg:$0x0];
	s2 =	sand.u32 $0x1, s2  }
0x3: {  	s7 =	rddreg [dreg:$0x1];
	p0 =	seq.s32 s2, $0x1  }
.Ltmp0:
0x4: {  	s1 =	rddreg [dreg:$0x2];
	(pc) =	sbr.rel @p0 .LBB2_6-.Ltmp0, $4  }
0x5: {  	s4 =	rddreg [dreg:$0x3]  }
0x6: {  	s3 =	rddreg [dreg:$0x4];
	s6 =	simm.s32 $0x0  }
0x7: {  	[smem:$0x7FF] =	sst s6  }
0x8: {  	s0 =	rddreg [dreg:$0x5];
	_ =	strace $0x80000047;
	s2 =	stileid.u32  }
0x9: {  	s8 =	sadd.s32 $0x600, s5;
	s9 =	sshll.u32 s2, $0x7  }
0xa: {  	s10 =	sshll.u32 s2, $0x8;
	s29 =	simm.s32 $0x800;
	s7 =	sadd.s32 s7, s9  }
0xb: {  	[tilespmem:s29], [sflag:$0x1] =	stream.linear.gather [hbm4b:s7+s6], $0x400, $0x38;
	[tilespmem:$0x1340] =	vst v63  }
0xc: {  	p1 =	sgt.u32 s2, $0xC;
	s8 =	sadd.s32 s8, s10  }
0xd: {  	[tilespmem:s6], [sflag:$0x1] =	stream.linear.gather [hbm4b:s8+s6], $0x800, $0x38;
	[tilespmem:$0x1340] =	vst v63  }
0xe: {  	s30 =	sadd.s32 $0x1A00, s5;
	s31 =	simm.s32 $0x1180;
	p0 =	sne.s32 @!p1 s2, $0x0  }
0xf: {  	[tilespmem:s31], [sflag:$0x1] =	stream.linear.gather [hbm4b:s30+s6], $0x80, $0x38;
	[tilespmem:$0x1340] =	vst v63  }
0x10: {  	s7 =	sadd.s32 $0x1600, s5;
	s8 =	simm.s32 @!p1 $0xF80;
	s6 =	simm.s32 @!p1 $0x0  }
0x11: {  	[tilespmem:s8], [sflag:$0x2] =	stream.linear.gather @!p1 [hbm4b:s7+s6], $0x190, $0x38;
	[tilespmem:$0x1340] =	vst v63  }
0x12: {  	p2 =	por p0, p1;
	s6 =	sadd.s32 $0x1800, s5  }
0x13: {  	s5 =	sshll.u32 s2, $0x4;
	s7 =	simm.s32 @!p2 $0x0;
	s8 =	simm.s32 @!p2 $0x1200  }
0x14: {  	v0 =	vlaneseq.u32;
	[tilespmem:s8], [sflag:$0x3] =	stream.linear.gather @!p2 [hbm4b:s6+s7], $0x80, $0x38;
	[tilespmem:$0x1340] =	vst v63  }
0x15: {  	v2 =	vimm.f32 $0.0e+00;
	v0 =	vmul.u32 $0x2, v0;
	v1 =	vmov s5;
	s6 =	simm.s32 $0xC20  }
0x16: {  	p3 =	por @!p1 $0x0, $0x0;
	p4 =	por !p0, p1;
	v1 =	vshll.u32 v1, $0x1;
	p2 =	por @!p2 $0x1, $0x1;
	[tilespmem:s6+$0xFFFFFFE0] =	vst v2  }
0x17: {  	p0 =	por $0x0, $0x0;
	v0 =	vor.u32 v0, v1;
	p2 =	por @!p4 p3, p3;
	[tilespmem:s6+$0x10] =	vst v2  }
0x18: {  	s7 =	simm.s32 $0x0;
	[tilespmem:s6+$0x0] =	vst v2;
	v1 =	vor.u32 $0x1, v0;
	p0 =	por @!p1 p2, p2  }
.LBB2_2:
0x19: {  	s7 =	sadd.s32 $0x4, s7  }
0x1a: {  	[tilespmem:s6+$0xFFFFFFF0] =	vst v2;
	s6 =	sadd.s32 $0x40, s6;
	p2 =	slt.u32 s7, $0x30  }
.Ltmp1:
0x1b: {  	[tilespmem:s6+$0xFFFFFFE0] =	vst v2;
	(pc) =	sbr.rel @p2 .LBB2_2-.Ltmp1, $3  }
0x1c: {  	_ =	sdelay $0x1  }
0x1d: {  	[tilespmem:s6+$0x10] =	vst v2  }
0x1e: {  	[tilespmem:s6+$0x0] =	vst v2  }
0x1f: {  	[tilespmem:s6+$0xFFFFFFF0] =	vst v2;
	s6 =	simm.s32 @p0 $0xC00  }
0x20: {  	[spmem:s4] =	stream.linear.scatter @p0 [tilespmem:s6], [sflag:$0x4], $0x380, $0x38;
	[tilespmem:$0x1340] =	vst v63  }
0x21: {  	s6 =	simm.s32 @p0 $0x4  }
0x22: {  	_ =	swait.ge @p0 [sflag:s6], $0x380  }
0x23: {  	[sflag:s6] =	ssyncset.done @p0 $0x0  }
0x24: {  	v2 =	vimm.f32 @p0 $0.0e+00;
	[sflag:s6] =	ssyncadd.s32 @p0 $0xFFFFFC80  }
0x25: {  	s7 =	simm.s32 @p0 $0x1280;
	[tilespmem:$0x1280] =	vst @p0 v2  }
0x26: {  	[spmem:s3] =	stream.linear.scatter @p0 [tilespmem:s7], [sflag:$0x4], $0x80, $0x38;
	[tilespmem:$0x1340] =	vst v63  }
0x27: {  	_ =	swait.ge @p0 [sflag:s6], $0x80  }
0x28: {  	[sflag:s6] =	ssyncset.done @p0 $0x0  }
0x29: {  	s26 =	simm.s32 $0x1;
	[sflag:s6] =	ssyncadd.s32 @p0 $0xFFFFFF80  }
0x2a: {  	_ =	swait.ge [sflag:s26], $0x400  }
0x2b: {  	[sflag:s26] =	ssyncset.done $0x0  }
0x2c: {  	[sflag:s26] =	ssyncadd.s32 $0xFFFFFC00  }
0x2d: {  	_ =	swait.ge [sflag:s26], $0x800  }
0x2e: {  	[sflag:s26] =	ssyncset.done $0x0  }
0x2f: {  	v2 =	vlaneseq.u32;
	[sflag:s26] =	ssyncadd.s32 $0xFFFFF800  }
0x30: {  	v2 =	vmul.u32 $0x2, v2;
	_ =	swait.ge [sflag:s26], $0x80  }
0x31: {  	[sflag:s26] =	ssyncset.done $0x0  }
0x32: {  	s28 =	simm.s32 $0x60;
	v3 =	vor.u32 $0x61, v2;
	[sflag:s26] =	ssyncadd.s32 $0xFFFFFF80  }
0x33: {  	s29 =	simm.s32 $0x820;
	s8 =	simm.s32 $0x0;
	v6 =	vor.u32 s28, v3;
	[bflag:$0x0] =	sbarrier.arrive $0xFFFF  }
0x34: {  	v4 =	vor.u32 $0x1, v2;
	v7 =	vor.u32 s8, v2;
	v8 =	vld [tilespmem:s29+$0xFFFFFFE0]  }
0x35: {  	v9 =	vor.u32 s8, v4;
	v10 =	vld [tilespmem:s29+$0x10]  }
0x36: {  	s30 =	simm.s32 $0x20;
	v11 =	vor.u32 s28, v2;
	v12 =	vld [tilespmem:s29+$0xFFFFFFF0]  }
0x37: {  	v13 =	vor.u32 s30, v2;
	v5 =	vor.u32 $0x21, v2;
	s6 =	simm.s32 $0x0;
	v14 =	vld [tilespmem:s29+$0x0]  }
0x38: {  	s31 =	simm.s32 $0x40;
	v16 =	vor.u32 s30, v5;
	v15 =	vld.idx.msk [tilespmem:v6+s6+$0x0], $0xffff  }
0x39: {  	v18 =	vor.u32 s31, v2;
	v17 =	vld.idx.msk [tilespmem:v7+s6+$0x0], $0xffff;
	v6 =	vor.u32 $0x41, v2  }
0x3a: {  	v9 =	vld.idx.msk [tilespmem:v9+s6+$0x0], $0xffff;
	v19 =	vor.u32 s31, v6  }
0x3b: {  	v11 =	vld.idx.msk [tilespmem:v11+s6+$0x0], $0xffff  }
0x3c: {  	v13 =	vld.idx.msk [tilespmem:v13+s6+$0x0], $0xffff  }
0x3d: {  	v16 =	vld.idx.msk [tilespmem:v16+s6+$0x0], $0xffff  }
0x3e: {  	v18 =	vld.idx.msk [tilespmem:v18+s6+$0x0], $0xffff  }
0x3f: {  	s7 =	simm.s32 $0xC00;
	v7 =	vimm.f32 $1.000000000e+00;
	v21 =	vadd.s32 $0xD0, v8;
	v19 =	vld.idx.msk [tilespmem:v19+s6+$0x0], $0xffff  }
0x40: {  	v22 =	vadd.s32 $0x1A0, v8;
	[tilespmem:v10+s7+$0x0] =	vst.idx.add.f32.msk $0xffff, v7  }
0x41: {  	v20 =	vadd.s32 $0xD0, v10;
	[tilespmem:v8+s7+$0x0] =	vst.idx.add.f32.msk $0xffff, v7  }
0x42: {  	v23 =	vadd.s32 $0xD0, v14;
	[tilespmem:v14+s7+$0x0] =	vst.idx.add.f32.msk $0xffff, v7  }
0x43: {  	v8 =	vadd.s32 $0x270, v8;
	[tilespmem:v12+s7+$0x0] =	vst.idx.add.f32.msk $0xffff, v7  }
0x44: {  	v24 =	vmul.f32 v17, v17;
	v25 =	vmul.f32 v9, v9;
	v56 =	vadd.s32 $0x1A0, v14;
	[tilespmem:v21+s7+$0x0] =	vst.idx.add.f32.msk $0xffff, v17  }
0x45: {  	v58 =	vmul.f32 v18, v18;
	[tilespmem:v22+s7+$0x0] =	vst.idx.add.f32.msk $0xffff, v9;
	v9 =	vadd.s32 $0x270, v14  }
0x46: {  	v60 =	vadd.s32 $0xD0, v12;
	v57 =	vadd.f32 v25, v24;
	[tilespmem:v20+s7+$0x0] =	vst.idx.add.f32.msk $0xffff, v11;
	v59 =	vmul.f32 v19, v19  }
0x47: {  	v55 =	vadd.s32 $0x1A0, v10;
	[tilespmem:v23+s7+$0x0] =	vst.idx.add.f32.msk $0xffff, v18  }
0x48: {  	v62 =	vadd.s32 $0x1A0, v12;
	[tilespmem:v8+s7+$0x0] =	vst.idx.add.f32.msk $0xffff, v57;
	v8 =	vadd.f32 v59, v58  }
0x49: {  	v10 =	vadd.s32 $0x270, v10;
	[tilespmem:v56+s7+$0x0] =	vst.idx.add.f32.msk $0xffff, v19  }
0x4a: {  	v61 =	vmul.f32 v15, v15;
	v11 =	vmul.f32 v11, v11;
	[tilespmem:v9+s7+$0x0] =	vst.idx.add.f32.msk $0xffff, v8;
	v8 =	vadd.s32 $0x270, v12  }
0x4b: {  	v63 =	vmul.f32 v16, v16;
	[tilespmem:v60+s7+$0x0] =	vst.idx.add.f32.msk $0xffff, v13;
	v9 =	vmul.f32 v13, v13  }
0x4c: {  	[tilespmem:v55+s7+$0x0] =	vst.idx.add.f32.msk $0xffff, v15;
	v11 =	vadd.f32 v61, v11  }
0x4d: {  	[tilespmem:v62+s7+$0x0] =	vst.idx.add.f32.msk $0xffff, v16;
	v9 =	vadd.f32 v63, v9  }
0x4e: {  	s9 =	simm.s32 $0xE0;
	s10 =	simm.s32 $0x860;
	s8 =	simm.s32 $0x0;
	[tilespmem:v10+s7+$0x0] =	vst.idx.add.f32.msk $0xffff, v11  }
.LBB2_4:
0x4f: {  	s11 =	sadd.s32 $0xFFFFFFA0, s9;
	v10 =	vor.u32 s9, v2;
	v11 =	vor.u32 s9, v3;
	s8 =	sadd.s32 $0x4, s8;
	[tilespmem:v8+s7+$0x0] =	vst.idx.add.f32.msk $0xffff, v9  }
0x50: {  	v9 =	vld [tilespmem:s10+$0xFFFFFFE0];
	v8 =	vor.u32 s11, v2;
	p2 =	slt.u32 s8, $0x3C  }
0x51: {  	v12 =	vor.u32 s11, v4;
	s11 =	sadd.s32 $0xFFFFFFC0, s9;
	v13 =	vld [tilespmem:s10+$0x10]  }
0x52: {  	v15 =	vor.u32 s11, v2;
	v14 =	vld [tilespmem:s10+$0xFFFFFFF0]  }
0x53: {  	v16 =	vor.u32 s11, v5;
	s11 =	sadd.s32 $0xFFFFFFE0, s9;
	v17 =	vld [tilespmem:s10+$0x0]  }
0x54: {  	v18 =	vor.u32 s11, v2;
	v11 =	vld.idx.msk [tilespmem:v11+s6+$0x0], $0xffff  }
0x55: {  	v19 =	vld.idx.msk [tilespmem:v8+s6+$0x0], $0xffff;
	v8 =	vor.u32 s11, v6  }
0x56: {  	v12 =	vld.idx.msk [tilespmem:v12+s6+$0x0], $0xffff  }
0x57: {  	v10 =	vld.idx.msk [tilespmem:v10+s6+$0x0], $0xffff  }
0x58: {  	v15 =	vld.idx.msk [tilespmem:v15+s6+$0x0], $0xffff  }
0x59: {  	v22 =	vadd.s32 $0xD0, v13;
	v20 =	vadd.s32 $0xD0, v14;
	v21 =	vadd.s32 $0x1A0, v14;
	[tilespmem:v13+s7+$0x0] =	vst.idx.add.f32.msk $0xffff, v7  }
0x5a: {  	v23 =	vadd.s32 $0xD0, v17;
	v16 =	vld.idx.msk [tilespmem:v16+s6+$0x0], $0xffff  }
0x5b: {  	v24 =	vadd.s32 $0xD0, v9;
	v18 =	vld.idx.msk [tilespmem:v18+s6+$0x0], $0xffff  }
0x5c: {  	v28 =	vadd.s32 $0x1A0, v17;
	v25 =	vmul.f32 v19, v19;
	v26 =	vmul.f32 v12, v12;
	v27 =	vld.idx.msk [tilespmem:v8+s6+$0x0], $0xffff  }
0x5d: {  	v29 =	vadd.s32 $0x1A0, v9;
	v8 =	vadd.s32 $0x270, v14;
	v30 =	vmul.f32 v10, v10;
	[tilespmem:v9+s7+$0x0] =	vst.idx.add.f32.msk $0xffff, v7  }
0x5e: {  	v25 =	vadd.f32 v26, v25;
	v26 =	vmul.f32 v15, v15;
	[tilespmem:v17+s7+$0x0] =	vst.idx.add.f32.msk $0xffff, v7  }
0x5f: {  	[tilespmem:v22+s7+$0x0] =	vst.idx.add.f32.msk $0xffff, v10;
	v10 =	vadd.s32 $0x1A0, v13  }
0x60: {  	[tilespmem:v24+s7+$0x0] =	vst.idx.add.f32.msk $0xffff, v19;
	v19 =	vadd.s32 $0x270, v9;
	v9 =	vmul.f32 v16, v16  }
0x61: {  	[tilespmem:v14+s7+$0x0] =	vst.idx.add.f32.msk $0xffff, v7  }
0x62: {  	[tilespmem:v29+s7+$0x0] =	vst.idx.add.f32.msk $0xffff, v12;
	v9 =	vadd.f32 v9, v26;
	v12 =	vadd.s32 $0x270, v17  }
0x63: {  	v13 =	vadd.s32 $0x270, v13;
	v14 =	vmul.f32 v18, v18;
	v17 =	vmul.f32 v27, v27;
	[tilespmem:v23+s7+$0x0] =	vst.idx.add.f32.msk $0xffff, v18  }
0x64: {  	v18 =	vmul.f32 v11, v11;
	[tilespmem:v10+s7+$0x0] =	vst.idx.add.f32.msk $0xffff, v11  }
0x65: {  	v10 =	vadd.f32 v17, v14;
	[tilespmem:v19+s7+$0x0] =	vst.idx.add.f32.msk $0xffff, v25  }
.Ltmp2:
0x66: {  	v11 =	vadd.f32 v18, v30;
	[tilespmem:v28+s7+$0x0] =	vst.idx.add.f32.msk $0xffff, v27;
	(pc) =	sbr.rel @p2 .LBB2_4-.Ltmp2, $4  }
0x67: {  	[tilespmem:v12+s7+$0x0] =	vst.idx.add.f32.msk $0xffff, v10  }
0x68: {  	[tilespmem:v13+s7+$0x0] =	vst.idx.add.f32.msk $0xffff, v11  }
0x69: {  	[tilespmem:v20+s7+$0x0] =	vst.idx.add.f32.msk $0xffff, v15  }
0x6a: {  	s9 =	sadd.s32 $0x80, s9;
	s10 =	sadd.s32 $0x40, s10;
	[tilespmem:v21+s7+$0x0] =	vst.idx.add.f32.msk $0xffff, v16  }
0x6b: {  	_ =	sdelay $0x2  }
0x6c: {  	s6 =	simm.s32 $0x1  }
0x6d: {  	[tilespmem:v8+s7+$0x0] =	vst.idx.add.f32.msk $0xffff, v9;
	s30 =	simm.s32 $0x1180;
	s8 =	simm.s32 $0xC00;
	s31 =	simm.s32 $0x4  }
0x6e: {  	[spmem:s4] =	stream.indirect.scatter.add.f32 [tilespmem:s8], [sflag:$0x4], $0x340, s30, s6, $0xb8;
	[tilespmem:$0x1340] =	vst v63  }
0x6f: {  	_ =	swait.ge [sflag:s31], $0x340  }
0x70: {  	[sflag:s31] =	ssyncset.done $0x0  }
0x71: {  	[sflag:s31] =	ssyncadd.s32 $0xFFFFFCC0  }
0x72: {  	s6 =	simm.s32 @!p1 $0x2;
	[bflag:$0x0] =	sbarrier.arrive $0xFFFF  }
0x73: {  	_ =	swait.ge @!p1 [sflag:s6], $0x190  }
0x74: {  	[sflag:s6] =	ssyncset.done @!p1 $0x0  }
0x75: {  	v2 =	vimm.f32 @!p1 $0.0e+00;
	[sflag:s6] =	ssyncadd.s32 @!p1 $0xFFFFFE70  }
0x76: {  	s6 =	simm.s32 @!p1 $0xC00;
	[tilespmem:$0x1110] =	vst @!p1 v2  }
0x77: {  	[tilespmem:s6], [sflag:$0x4] =	stream.linear.gather @!p1 [spmem:s4], $0x380, $0x38;
	[tilespmem:$0x1340] =	vst v63  }
0x78: {  	s4 =	simm.s32 @!p1 $0x4  }
0x79: {  	_ =	swait.ge @!p1 [sflag:s4], $0x380  }
0x7a: {  	[sflag:s4] =	ssyncset.done @!p1 $0x0  }
0x7b: {  	[sflag:s4] =	ssyncadd.s32 @!p1 $0xFFFFFC80  }
0x7c: {  	v2 =	vld @!p1 [tilespmem:s5+$0xC00]  }
0x7d: {  	v3 =	vld @!p1 [tilespmem:s5+$0xCD0]  }
0x7e: {  	s6 =	simm.s32 @!p1 $0xF80;
	v4 =	vld @!p1 [tilespmem:s5+$0xDA0]  }
0x7f: {  	v0 =	vld.idx.msk @!p1 [tilespmem:v0+s6+$0x0], $0xffff  }
0x80: {  	v1 =	vld.idx.msk @!p1 [tilespmem:v1+s6+$0x0], $0xffff;
	_ =	sdelay $0x1  }
0x81: {  	v5 =	vmax.f32 @!p1 v2, $1.000000000e+00  }
0x82: {  	(erf) = vrcp.f32 @!p1 v5;
	_ =	sdelay $0x1  }
0x83: {  	v3 =	vmul.f32 @!p1 v0, v3;
	v4 =	vmul.f32 @!p1 v1, v4  }
0x84: {  	v5 =	vld @!p1 [tilespmem:s5+$0xE70]  }
0x85: {  	v3 =	vadd.f32 @!p1 v4, v3;
	_ =	sdelay $0x1  }
0x86: {  	v3 =	vadd.f32 @!p1 v3, v3  }
0x87: {  	v0 =	vmul.f32 @!p1 v0, v0;
	v1 =	vmul.f32 @!p1 v1, v1  }
0x88: {  	v3 =	vsub.f32 @!p1 v5, v3  }
0x89: {  	v0 =	vadd.f32 @!p1 v1, v0;
	v4 =	vpop @!p1 (erf)  }
0x8a: {  	vm0 =	vgt.f32 @!p1 v2, $0.0e+00;
	v1 =	vmul.f32 @!p1 v3, v4  }
0x8b: {  	v0 =	vnsel @!p1 vm0, $0x0, v0  }
0x8c: {  	v0 =	vadd.f32 @!p1 v1, v0;
	_ =	sdelay $0x1  }
0x8d: {  	s7 =	simm.s32 @!p1 $0x1280;
	s6 =	simm.s32 @!p1 $0x1180;
	s5 =	simm.s32 @!p1 $0x1;
	[tilespmem:$0x1280] =	vst @!p1 v0  }
0x8e: {  	[spmem:s3] =	stream.indirect.scatter.add.f32 @!p1 [tilespmem:s7], [sflag:$0x4], $0x10, s6, s5, $0xb8;
	[tilespmem:$0x1340] =	vst v63  }
0x8f: {  	_ =	swait.ge @!p1 [sflag:s4], $0x10  }
0x90: {  	[sflag:s4] =	ssyncset.done @!p1 $0x0  }
0x91: {  	[sflag:s4] =	ssyncadd.s32 @!p1 $0xFFFFFFF0  }
0x92: {  	s4 =	simm.s32 @p0 $0x3;
	[bflag:$0x0] =	sbarrier.arrive $0xFFFF  }
0x93: {  	_ =	swait.ge @p0 [sflag:s4], $0x80  }
0x94: {  	[sflag:s4] =	ssyncset.done @p0 $0x0  }
0x95: {  	[sflag:s4] =	ssyncadd.s32 @p0 $0xFFFFFF80;
	s4 =	simm.s32 @p0 $0x1280  }
0x96: {  	[tilespmem:s4], [sflag:$0x4] =	stream.linear.gather @p0 [spmem:s3], $0x80, $0x38;
	[tilespmem:$0x1340] =	vst v63  }
0x97: {  	s3 =	simm.s32 @p0 $0x4  }
0x98: {  	_ =	swait.ge @p0 [sflag:s3], $0x80  }
0x99: {  	[sflag:s3] =	ssyncset.done @p0 $0x0  }
0x9a: {  	[sflag:s3] =	ssyncadd.s32 @p0 $0xFFFFFF80  }
0x9b: {  	v0 =	vld @p0 [tilespmem:$0x1280];
	_ =	sdelay $0x4  }
0x9c: {  	(xrf2) =	vadd.scan.msk.f32 @p0 $0xffff, v0;
	_ =	sdelay $0x9  }
0x9d: {  	v1 =	vld @p0 [tilespmem:$0x1200];
	v0, _, _ =	vpop @p0 (xrf2)  }
0x9e: {  	v0 =	vadd.f32 @p0 $0.0e+00, v0;
	_ =	sdelay $0x1  }
0x9f: {  	v0 =	vbroadcast @p0 v0, $0xF;
	_ =	sdelay $0x1  }
0xa0: {  	v0 =	vmul.f32 @p0 v0, v1;
	_ =	sdelay $0x1  }
0xa1: {  	v0 =	vmul.f32 @p0 $3.051757810e-05, v0;
	_ =	sdelay $0x1  }
0xa2: {  	s5 =	simm.s32 @p0 $0x0;
	[tilespmem:$0x1280] =	vst @p0 v0  }
0xa3: {  	[hbm4b:s1+s5] =	stream.linear.scatter @p0 [tilespmem:s4], [sflag:$0x4], $0x80, $0x38;
	[tilespmem:$0x1340] =	vst v63  }
0xa4: {  	_ =	swait.ge @p0 [sflag:s3], $0x80  }
0xa5: {  	[sflag:s3] =	ssyncset.done @p0 $0x0  }
0xa6: {  	[sflag:s3] =	ssyncadd.s32 @p0 $0xFFFFFF80  }
.LBB2_6:
0xa7: {  	_ =	sfence.sel $0x180000  }
0xa8: {  	[bflag:$0x0] =	sbarrier.arrive $0xFFFF  }
0xa9: {  	p0 =	sne.s32 s2, $0x0;
	_ =	strace $0x90000047  }
0xaa: {  	s0 =	sadd.s32 @!p0 $0x100000, s0;
	[bflag:$0x2] =	sbarrier.arrive $0xFFFF  }
0xab: {  	[sflag:s0] =	ssyncadd.tile.s32 @!p0 $0x1;
	_ =	shalt  }
.Lfunc_end2:
_tile_overlayer_lowered:
.L_overlay_start_2:
0xac: {  	(tag) =	ssettag $0x2  }
0xad: {  	s0 =	rddreg [dreg:$0x0];
	s2 =	stileid.u32  }
0xae: {  	s1 =	rddreg [dreg:$0x1];
	p0 =	sne.s32 s2, $0x0  }
0xaf: {  	s3 =	rddreg [dreg:$0x2];
	[bflag:$0x3] =	sbarrier.arrive $0xFFFF;
	s2 =	simm.s32 @!p0 $0x1C04  }
0xb0: {  	[timem:s3], [sflag:s2] =	dma.local @!p0 [hbm:s0], s1  }
0xb1: {  	s0 =	simm.s32 @!p0 $0x4  }
0xb2: {  	_ =	swait.ge @!p0 [sflag:s0], s1  }
0xb3: {  	s1 =	ssub.s32 @!p0 $0x0, s1;
	[sflag:s0] =	ssyncset.done @!p0 $0x0  }
0xb4: {  	[sflag:s0] =	ssyncadd.s32 @!p0 s1  }
0xb5: {  	[bflag:$0x3] =	sbarrier.arrive $0xFFFF  }
0xb6: {  	_ =	shalt  }

</sc_bundles>
